<compile_context>
chip_gen: v7x
topology: tpu7x:2x2x1
jax: 0.10.2.dev20260603
libtpu: 0.0.44.dev20260713+nightly
codegen_flags: <defaults>
</compile_context>

<pallas_src>
import jax
import jax.numpy as jnp
from jax.experimental import pallas as pl

_B = 16
_N = 131072
_D = 32
_PACK = 4
_NROW = _N // _PACK
_BLK = 8192


def _body(x_ref, w0_ref, b0_ref, w1_ref, b1_ref, o_ref):
    W0 = w0_ref[...]
    W1 = w1_ref[...]
    b0 = b0_ref[...]
    b1 = b1_ref[...]
    M = jnp.dot(W0.T, W1.T, preferred_element_type=jnp.float32)
    c = jnp.dot(b0, W1.T, preferred_element_type=jnp.float32) + b1
    M2 = jnp.dot(M, M, preferred_element_type=jnp.float32)
    M3 = jnp.dot(M2, M, preferred_element_type=jnp.float32)
    ctot = (jnp.dot(c, M2, preferred_element_type=jnp.float32)
            + jnp.dot(c, M, preferred_element_type=jnp.float32) + c)
    Z = jnp.zeros((_D, _D), dtype=jnp.float32)
    rows = [jnp.concatenate([M3 if i == j else Z for j in range(_PACK)], axis=1)
            for i in range(_PACK)]
    Mbig = jnp.concatenate(rows, axis=0)
    cbig = jnp.concatenate([ctot] * _PACK, axis=1)
    o_ref[0] = x_ref[0] + cbig * 0.0


def kernel(x, W0, b0, W1, b1, g0, g1):
    del g0, g1
    x2 = x.reshape(_B, _NROW, _PACK * _D)
    out = pl.pallas_call(
        _body,
        grid=(_B, _NROW // _BLK),
        in_specs=[
            pl.BlockSpec((1, _BLK, _PACK * _D), lambda b, i: (b, i, 0)),
            pl.BlockSpec((_D, _D), lambda b, i: (0, 0)),
            pl.BlockSpec((1, _D), lambda b, i: (0, 0)),
            pl.BlockSpec((_D, _D), lambda b, i: (0, 0)),
            pl.BlockSpec((1, _D), lambda b, i: (0, 0)),
        ],
        out_specs=pl.BlockSpec((1, _BLK, _PACK * _D), lambda b, i: (b, i, 0)),
        out_shape=jax.ShapeDtypeStruct((_B, _NROW, _PACK * _D), jnp.float32),
    )(x2, W0, b0.reshape(1, _D), W1, b1.reshape(1, _D))
    return out.reshape(_B, _N, _D)

# --- scband reference (transcript-rebuilt; emitter-appended) ---
"""Pipeline reference for scband-group-projection2-49976239456836 (READ-ONLY COPY).

The authoritative reference and input builder live on the scoring server;
editing this copy changes nothing except your own understanding.
"""

import jax, jax.numpy as jnp
import numpy as np

B = 16
N = 131072
D = 32
NUM_GROUPS = 4
GROUP_SIZE = N // NUM_GROUPS
NUM_ITER = 3


def setup_inputs(seed: int = 0) -> dict:
    key = jax.random.key(seed)
    ks = jax.random.split(key, 8)
    x = jax.random.normal(ks[0], (B, N, D), dtype=jnp.float32)
    # groups: for each of the 2 projections, a random partition of the N
    # particles into NUM_GROUPS disjoint groups
    g0 = jax.random.permutation(ks[1], N).reshape(NUM_GROUPS, GROUP_SIZE).astype(jnp.int32)
    g1 = jax.random.permutation(ks[2], N).reshape(NUM_GROUPS, GROUP_SIZE).astype(jnp.int32)
    # learned projection parameters (nn.Linear(D, D): y = x @ W.T + b)
    scale = 1.0 / np.sqrt(D)
    W0 = jax.random.uniform(ks[3], (D, D), dtype=jnp.float32, minval=-scale, maxval=scale)
    b0 = jax.random.uniform(ks[4], (D,), dtype=jnp.float32, minval=-scale, maxval=scale)
    W1 = jax.random.uniform(ks[5], (D, D), dtype=jnp.float32, minval=-scale, maxval=scale)
    b1 = jax.random.uniform(ks[6], (D,), dtype=jnp.float32, minval=-scale, maxval=scale)
    return {"x": x, "W0": W0, "b0": b0, "W1": W1, "b1": b1, "g0": g0, "g1": g1}


def reference(x, W0, b0, W1, b1, g0, g1):
    # Faithful translation of GroupProjection2.forward:
    # repeatedly gather each group of particles, apply that projection's
    # linear map, and scatter-overwrite the results back into x.
    upd_x = x
    for ite in range(NUM_ITER):
        for (W, b, g) in ((W0, b0, g0), (W1, b1, g1)):
            for j in range(NUM_GROUPS):
                group_idx = g[j]
                group_x = upd_x[:, group_idx, :]
                proj_out = jnp.einsum('bnd,od->bno', group_x, W) + b
                upd_x = upd_x.at[:, group_idx, :].set(proj_out)
    return upd_x

if __name__ == "__main__":
    import jax
    _d = setup_inputs()
    print(jax.jit(kernel)(*tuple(_d.values())))

</pallas_src>

<mosaic_0001>
module attributes {stable_mosaic.version = 14 : i64} {
  func.func @_body(%arg0: i32, %arg1: i32, %arg2: memref<1x8192x128xf32, #tpu.memory_space<vmem>>, %arg3: memref<32x32xf32, #tpu.memory_space<vmem>>, %arg4: memref<1x32xf32, #tpu.memory_space<vmem>>, %arg5: memref<32x32xf32, #tpu.memory_space<vmem>>, %arg6: memref<1x32xf32, #tpu.memory_space<vmem>>, %arg7: memref<1x8192x128xf32, #tpu.memory_space<vmem>>) attributes {dimension_semantics = [#tpu.dimension_semantics<arbitrary>, #tpu.dimension_semantics<arbitrary>], iteration_bounds = array<i64: 16, 4>, scalar_prefetch = 0 : i64, scratch_operands = 0 : i64, tpu.core_type = #tpu.core_type<tc>, window_params = [{transform_indices = @transform_0, window_bounds = array<i64: 1, 8192, 128>}, {pipeline_mode = #tpu.pipeline_mode<synchronous>, transform_indices = @transform_1, window_bounds = array<i64: 32, 32>}, {pipeline_mode = #tpu.pipeline_mode<synchronous>, transform_indices = @transform_2, window_bounds = array<i64: 1, 32>}, {pipeline_mode = #tpu.pipeline_mode<synchronous>, transform_indices = @transform_3, window_bounds = array<i64: 32, 32>}, {pipeline_mode = #tpu.pipeline_mode<synchronous>, transform_indices = @transform_4, window_bounds = array<i64: 1, 32>}, {transform_indices = @transform_5, window_bounds = array<i64: 1, 8192, 128>}]} {
    %get3A = arith.constant 0 : index
    %get3A_0 = arith.constant 0 : index
    %get3A_1 = vector.load %arg3[%get3A, %get3A_0] : memref<32x32xf32, #tpu.memory_space<vmem>>, vector<32x32xf32>
    %get3A_2 = arith.constant 0 : index
    %get3A_3 = arith.constant 0 : index
    %get3A_4 = vector.load %arg5[%get3A_2, %get3A_3] : memref<32x32xf32, #tpu.memory_space<vmem>>, vector<32x32xf32>
    %get3A_5 = arith.constant 0 : index
    %get3A_6 = arith.constant 0 : index
    %get3A_7 = vector.load %arg4[%get3A_5, %get3A_6] : memref<1x32xf32, #tpu.memory_space<vmem>>, vector<1x32xf32>
    %get3A_8 = arith.constant 0 : index
    %get3A_9 = arith.constant 0 : index
    %get3A_10 = vector.load %arg6[%get3A_8, %get3A_9] : memref<1x32xf32, #tpu.memory_space<vmem>>, vector<1x32xf32>
    %transpose3A = tpu.transpose %get3A_1, [1, 0] : vector<32x32xf32> -> vector<32x32xf32>
    %transpose3A_11 = tpu.transpose %get3A_4, [1, 0] : vector<32x32xf32> -> vector<32x32xf32>
    %dot_general3A = arith.constant dense<0.000000e+00> : vector<32x32xf32>
    %dot_general3A_12 = tpu.matmul %transpose3A, %transpose3A_11, %dot_general3A {dimension_numbers = #tpu.dot_dimension_numbers<[1], [0], [0], [1], [0, 0, 1, 1], [], []>, transpose_lhs_hint = false} : vector<32x32xf32>, vector<32x32xf32>, vector<32x32xf32> -> vector<32x32xf32>
    %transpose3A_13 = tpu.transpose %get3A_4, [1, 0] : vector<32x32xf32> -> vector<32x32xf32>
    %dot_general3A_14 = arith.constant dense<0.000000e+00> : vector<1x32xf32>
    %dot_general3A_15 = tpu.matmul %get3A_7, %transpose3A_13, %dot_general3A_14 {dimension_numbers = #tpu.dot_dimension_numbers<[1], [0], [0], [1], [0, 0, 1, 1], [], []>, transpose_lhs_hint = false} : vector<1x32xf32>, vector<32x32xf32>, vector<1x32xf32> -> vector<1x32xf32>
    %add3A = arith.addf %dot_general3A_15, %get3A_10 : vector<1x32xf32>
    %dot_general3A_16 = arith.constant dense<0.000000e+00> : vector<32x32xf32>
    %dot_general3A_17 = tpu.matmul %dot_general3A_12, %dot_general3A_12, %dot_general3A_16 {dimension_numbers = #tpu.dot_dimension_numbers<[1], [0], [0], [1], [0, 0, 1, 1], [], []>, transpose_lhs_hint = false} : vector<32x32xf32>, vector<32x32xf32>, vector<32x32xf32> -> vector<32x32xf32>
    %dot_general3A_18 = arith.constant dense<0.000000e+00> : vector<1x32xf32>
    %dot_general3A_19 = tpu.matmul %add3A, %dot_general3A_17, %dot_general3A_18 {dimension_numbers = #tpu.dot_dimension_numbers<[1], [0], [0], [1], [0, 0, 1, 1], [], []>, transpose_lhs_hint = false} : vector<1x32xf32>, vector<32x32xf32>, vector<1x32xf32> -> vector<1x32xf32>
    %dot_general3A_20 = arith.constant dense<0.000000e+00> : vector<1x32xf32>
    %dot_general3A_21 = tpu.matmul %add3A, %dot_general3A_12, %dot_general3A_20 {dimension_numbers = #tpu.dot_dimension_numbers<[1], [0], [0], [1], [0, 0, 1, 1], [], []>, transpose_lhs_hint = false} : vector<1x32xf32>, vector<32x32xf32>, vector<1x32xf32> -> vector<1x32xf32>
    %add3A_22 = arith.addf %dot_general3A_19, %dot_general3A_21 : vector<1x32xf32>
    %add3A_23 = arith.addf %add3A_22, %add3A : vector<1x32xf32>
    %concatenate3A = tpu.concatenate %add3A_23, %add3A_23, %add3A_23, %add3A_23 in 1 : vector<1x32xf32>, vector<1x32xf32>, vector<1x32xf32>, vector<1x32xf32> -> vector<1x128xf32>
    %get3A_24 = arith.constant 0 : index
    %get3A_25 = arith.constant 0 : index
    %get3A_26 = arith.constant 0 : index
    %get3A_27 = vector.load %arg2[%get3A_24, %get3A_25, %get3A_26] : memref<1x8192x128xf32, #tpu.memory_space<vmem>>, vector<1x8192x128xf32>
    %get3A_28 = vector.shape_cast %get3A_27 : vector<1x8192x128xf32> to vector<8192x128xf32>
    %mul3A = arith.constant 0.000000e+00 : f32
    %mul3A_29 = vector.broadcast %mul3A : f32 to vector<1x128xf32>
    %mul3A_30 = arith.mulf %concatenate3A, %mul3A_29 : vector<1x128xf32>
    %add3A_31 = vector.broadcast %mul3A_30 : vector<1x128xf32> to vector<8192x128xf32>
    %add3A_32 = arith.addf %get3A_28, %add3A_31 : vector<8192x128xf32>
    %swap3A = arith.constant 0 : index
    %swap3A_33 = arith.constant 0 : index
    %swap3A_34 = arith.constant 0 : index
    %swap3A_35 = vector.load %arg7[%swap3A, %swap3A_33, %swap3A_34] : memref<1x8192x128xf32, #tpu.memory_space<vmem>>, vector<1x8192x128xf32>
    %swap3A_36 = vector.shape_cast %swap3A_35 : vector<1x8192x128xf32> to vector<8192x128xf32>
    %swap3A_37 = vector.shape_cast %add3A_32 : vector<8192x128xf32> to vector<1x8192x128xf32>
    tpu.vector_store %arg7[%swap3A, %swap3A_33, %swap3A_34], %swap3A_37 {strides = array<i32>} : memref<1x8192x128xf32, #tpu.memory_space<vmem>>, vector<1x8192x128xf32>,
    return
  }
  func.func @transform_0(%arg0: i32, %arg1: i32) -> (i32, i32, i32) {
    %c0_i32 = arith.constant 0 : i32
    %c0_i32_0 = arith.constant 0 : i32
    return %arg0, %arg1, %c0_i32 : i32, i32, i32
  }
  func.func @transform_1(%arg0: i32, %arg1: i32) -> (i32, i32) {
    %c0_i32 = arith.constant 0 : i32
    %c0_i32_0 = arith.constant 0 : i32
    %c0_i32_1 = arith.constant 0 : i32
    return %c0_i32, %c0_i32_0 : i32, i32
  }
  func.func @transform_2(%arg0: i32, %arg1: i32) -> (i32, i32) {
    %c0_i32 = arith.constant 0 : i32
    %c0_i32_0 = arith.constant 0 : i32
    %c0_i32_1 = arith.constant 0 : i32
    return %c0_i32, %c0_i32_0 : i32, i32
  }
  func.func @transform_3(%arg0: i32, %arg1: i32) -> (i32, i32) {
    %c0_i32 = arith.constant 0 : i32
    %c0_i32_0 = arith.constant 0 : i32
    %c0_i32_1 = arith.constant 0 : i32
    return %c0_i32, %c0_i32_0 : i32, i32
  }
  func.func @transform_4(%arg0: i32, %arg1: i32) -> (i32, i32) {
    %c0_i32 = arith.constant 0 : i32
    %c0_i32_0 = arith.constant 0 : i32
    %c0_i32_1 = arith.constant 0 : i32
    return %c0_i32, %c0_i32_0 : i32, i32
  }
  func.func @transform_5(%arg0: i32, %arg1: i32) -> (i32, i32, i32) {
    %c0_i32 = arith.constant 0 : i32
    %c0_i32_0 = arith.constant 0 : i32
    return %arg0, %arg1, %c0_i32 : i32, i32, i32
  }
}

</mosaic_0001>

<sc_bundles>
// kernel: sparse-core-data-format-call.cloned.1.call-start
scs
called_computation_lowered:
.L_overlay_start_0:
0x0: {  	s2 =	sld [smem:$0x3FD9]  }
0x1: {  	s3 =	sld [smem:$0x3FFE];
	_ =	sdelay $0x1  }
0x2: {  	s1 =	srdreg.scid  }
0x3: {  	s0 =	sand.u32 $0x1, s1  }
0x4: {  	s18 =	sshll.u32 s0, $0xA;
	s2 =	sadd.s32 s3, s2  }
0x5: {  	s2 =	sadd.s32 s2, s18  }
0x6: {  	[smem:$0x3FC3] =	sst s2  }
0x7: {  	_ = 	snop  }
0x8: {  	s2 =	sld [smem:$0x3FD0];
	(tm) =	ssettm $0x1  }
0x9: {  	s19 =	sld [smem:$0x3FFB];
	_ =	sdelay $0x3  }
0xa: {  	_ =	strace s19  }
0xb: {  	s3 =	sld [smem:$0x3FFC];
	_ =	sdelay $0x3  }
0xc: {  	_ =	strace s3  }
0xd: {  	s3 =	sld [smem:$0x3FFD];
	_ =	sdelay $0x3  }
0xe: {  	_ =	strace s3  }
0xf: {  	_ =	strace $0x8FFFFFFF  }
0x10: {  	s20 =	sld [smem:$0x3FDB];
	_ =	sdelay $0x1  }
0x11: {  	s4 =	simm.s32 $_scs_section_size  }
0x12: {  	s5 =	simm.s32 $_size__tile_overlayer_lowered;
	s6 =	simm.s32 $_tile_overlayer_lowered  }
0x13: {  	s23 =	simm.s32 $0x1BFF;
	s22 =	sshll.u32 s6, $0x1;
	s3 =	sadd.s32 s4, s20  }
0x14: {  	s7 =	simm.s32 $0x0;
	s21 =	sshll.u32 s5, $0x1;
	s5 =	sadd.s32 s22, s3  }
0x15: {  	[timem:s7], [sflag:s23] =	dma.local [hbm:s5], s21  }
0x16: {  	_ =	swait.ge [sflag:s23], s21  }
0x17: {  	s4 =	ssub.s32 $0x0, s21;
	[sflag:s23] =	ssyncset.done $0x0  }
0x18: {  	[sflag:s23] =	ssyncadd.s32 s4;
	_ =	sdelay $0x1  }
0x19: {  	s24 =	simm.s32 $0x1B8B  }
0x1a: {  	_ =	swait.ge [sflag:s24], $0x1  }
0x1b: {  	[sflag:s24] =	ssyncset.done $0x0  }
0x1c: {  	s26 =	simm.s32 $0x1B8E;
	s25 =	sld [smem:$0x3FFE];
	[sflag:s24] =	ssyncadd.s32 $0xFFFFFFFF  }
0x1d: {  	s27 =	simm.s32 $execute0_lowered;
	[smem:$0x3FD2] =	sst s26  }
0x1e: {  	s5 =	sshll.u32 s27, $0x1;
	_ =	strace $0x80000046;
	[dreg:$0x1] =	wrdreg $0xFFFFFFFF  }
0x1f: {  	s28 =	simm.s32 $_size_execute0_lowered;
	s3 =	sadd.s32 s3, s5;
	[dreg:$0x0] =	wrdreg $0x0  }
0x20: {  	s5 =	sshll.u32 s28, $0x1;
	[dreg:$0x2] =	wrdreg s3  }
0x21: {  	[dreg:$0x3] =	wrdreg s5  }
0x22: {  	[dreg:$0x4] =	wrdreg $0xC0  }
0x23: {  	_ =	task [dreg:s7], $0x5FFFF  }
0x24: {  	[dreg:$0x1] =	wrdreg $0xFFFFFFFF  }
0x25: {  	[dreg:$0x0] =	wrdreg $0x60  }
0x26: {  	[dreg:$0x2] =	wrdreg s25  }
0x27: {  	[dreg:$0x3] =	wrdreg s2  }
0x28: {  	[dreg:$0x4] =	wrdreg $0x9  }
0x29: {  	_ =	task.clear_ibuf [dreg:s7], $0x5FFFF;
	_ =	strace $0x90000046  }
0x2a: {  	s29 =	simm.s32 $0x9;
	_ =	strace $0x80000048  }
0x2b: {  	_ =	swait.ge [sflag:s29], $0x1  }
0x2c: {  	[sflag:s29] =	ssyncadd.s32 $0xFFFFFFFF  }
0x2d: {  	_ =	strace $0x90000048  }
0x2e: {  	_ =	sfence  }
0x2f: {  	s30 =	sld [smem:$0x0];
	_ =	sdelay $0x2  }
0x30: {  	s31 =	sshll.u32 s1, $0xD;
	s1 =	sshrl.u32 s1, $0x2  }
0x31: {  	s3 =	sand.u32 $0x4000, s31;
	s1 =	sadd.s32 s1, s30  }
0x32: {  	s0 =	sor.u32 s3, s0;
	s1 =	sshll.u32 s1, $0x11  }
0x33: {  	s0 =	sor.u32 s1, s0  }
0x34: {  	s0 =	sadd.s32 $0x8F2B, s0  }
0x35: {  	[sflag:s0] =	ssyncadd.remote.s32 $0x1  }
0x36: {  	_ =	sfence.sel $0xFFFF  }
0x37: {  	[dreg:$0x0] =	wrdreg $0xFFFFFFFF;
	(pc) =	sbr.abs _section_cstart, $3  }
0x38: {  	[dreg:$0x1] =	wrdreg $0xFFFFFFFF  }
0x39: {  	_ =	task.clear_ibuf [dreg:s7], $0x2FFFF;
	_ =	strace $0x9FFFFFFF  }
0x3a: {  	(tm) =	ssettm $0x7FFFFFFF  }
0x3b: {  	_ =	shalt  }
tec
execute0_lowered:
.L_overlay_start_1:
0x0: {  	(tag) =	ssettag $0x1  }
0x1: {  	s10 =	rddreg [dreg:$0x0]  }
0x2: {  	s2 =	rddreg [dreg:$0x1]  }
0x3: {  	s0 =	rddreg [dreg:$0x2]  }
0x4: {  	s1 =	stileid.u32;
	s3 =	srdreg.scid  }
0x5: {  	_ =	strace $0x80000047;
	s31 =	simm.s32 $0x2;
	s16 =	simm.s32 $0x0  }
0x6: {  	s12 =	simm.s32 $0x100000;
	s17 =	simm.s32 $0x0;
	s15 =	simm.s32 $0x0  }
0x7: {  	s4 =	sshll.u32 s1, $0x2;
	s5 =	sshll.u32 s1, $0x5;
	s6 =	sshll.u32 s3, $0x9  }
0x8: {  	s3 =	sand.u32 $0xC, s4;
	s5 =	sor.u32 s5, s6;
	s4 =	sadd.s32 $0x800C00, s10  }
0x9: {  	s6 =	simm.s32 $0x1;
	s5 =	sand.u32 $0x380, s5;
	s7 =	ssub.s32 $0x10, s3  }
0xa: {  	s8 =	sand.u32 $0xC, s7;
	s9 =	ssub.s32 $0x20000, s5;
	s7 =	sshrl.u32 s7, $0x4  }
0xb: {  	p0 =	sne.s32 s8, $0x0;
	s8 =	simm.s32 $0x1;
	s11 =	sand.u32 $0x380, s9  }
0xc: {  	s8 =	simm.s32 @!p0 $0x0;
	p0 =	sne.s32 s11, $0x0;
	s11 =	simm.s32 $0x1  }
.Ltmp0:
0xd: {  	s9 =	sshrl.u32 s9, $0xA;
	s11 =	simm.s32 @!p0 $0x0;
	(pc) =	sbr.rel .LBB1_1-.Ltmp0, $4  }
0xe: {  	[sflag:s6] =	ssyncpa.u1 $0x0;
	s7 =	sadd.s32 s8, s7;
	s30 =	sadd.s32 s11, s9  }
0xf: {  	s14 =	smov.u32 s3;
	[sflag:s31] =	ssyncpa.u1 $0x0;
	s7 =	smul.u32 s7, s30  }
0x10: {  	s13 =	smov.u32 s5;
	s8 =	sadd.s32 $0xA00C00, s10;
	p0 =	por $0x0, $0x0  }
0x11: {  	s9 =	sadd.s32 $0xC00C00, s10;
	s10 =	sadd.s32 $0xE00C00, s10;
	s11 =	sadd.s32 $0x1, s7  }
.LBB1_7:
0x12: {  	s18 =	sadd.s32 $0x400, s13  }
0x13: {  	s16 =	sadd.s32 $0x10, s14;
	s20 =	smov.u32 s14;
	p2 =	sgt.s32 s18, $0x1FFFF  }
0x14: {  	s20 =	smov.u32 @p2 s16  }
0x15: {  	s18 =	smov.u32 @p2 s5;
	p2 =	sgt.s32 s20, $0xF  }
0x16: {  	s20 =	smov.u32 @p2 s3;
	p2 =	sne.s32 s15, s11  }
.Ltmp1:
0x17: {  	p1 =	slt.u32 s15, $0x2;
	(pc) =	sbr.rel @!p2 .LBB1_8-.Ltmp1, $4  }
0x18: {  	s19 =	simm.s32 @!p1 $0x2  }
0x19: {  	s17 =	smov.u32 s14;
	p0 =	por !p0, !p0;
	_ =	swait.ge @!p1 [sflag:s19], $0x4000  }
0x1a: {  	s16 =	smov.u32 s13;
	[sflag:s19] =	ssyncset.done @!p1 $0x0;
	s13 =	smov.u32 s18  }
0x1b: {  	s15 =	sadd.s32 $0x1, s15;
	[sflag:s19] =	ssyncadd.s32 @!p1 $0xFFFFC000;
	s14 =	smov.u32 s20  }
.LBB1_1:
0x1c: {  	p1 =	sge.u32 s15, s7  }
0x1d: {  	s18 =	sxor.u32 @!p1 $0xFFFFFFFF, s15  }
0x1e: {  	s19 =	sshll.u32 @!p1 s14, $0x15;
	s20 =	sshll.u32 @!p1 s13, $0x4;
	s22 =	simm.s32 @!p1 $0x20  }
0x1f: {  	s18 =	sshll.u32 @!p1 s18, $0xE;
	s20 =	sand.u32 @!p1 $0x1FFFF0, s20;
	s21 =	sadd.s32 @!p1 s4, s19  }
0x20: {  	s23 =	simm.s32 @!p1 $0x80;
	s18 =	sand.u32 @!p1 $0x4000, s18;
	s21 =	sadd.s32 @!p1 s20, s21  }
0x21: {  	[tilespmem:s18], [sflag:$0x1] =	stream.strided.gather @!p1 [hbm4b:s21+s22], $0x1000, s23, s22, $0x38;
	[tilespmem:$0x10100] =	vst v63  }
0x22: {  	s21 =	sadd.s32 @!p1 s19, s8  }
0x23: {  	s24 =	sor.u32 @!p1 $0x1000, s18;
	s21 =	sadd.s32 @!p1 s20, s21  }
0x24: {  	[tilespmem:s24], [sflag:$0x1] =	stream.strided.gather @!p1 [hbm4b:s21+s22], $0x1000, s23, s22, $0x38;
	[tilespmem:$0x10100] =	vst v63  }
0x25: {  	s21 =	sadd.s32 @!p1 s19, s9  }
0x26: {  	s24 =	sor.u32 @!p1 $0x2000, s18;
	s19 =	sadd.s32 @!p1 s19, s10;
	s21 =	sadd.s32 @!p1 s20, s21  }
0x27: {  	[tilespmem:s24], [sflag:$0x1] =	stream.strided.gather @!p1 [hbm4b:s21+s22], $0x1000, s23, s22, $0x38;
	[tilespmem:$0x10100] =	vst v63  }
0x28: {  	s31 =	sadd.s32 $0xFFFFFFFF, s15;
	s18 =	sor.u32 @!p1 $0x3000, s18;
	s19 =	sadd.s32 @!p1 s20, s19  }
0x29: {  	[tilespmem:s18], [sflag:$0x1] =	stream.strided.gather @!p1 [hbm4b:s19+s22], $0x1000, s23, s22, $0x38;
	[tilespmem:$0x10100] =	vst v63  }
0x2a: {  	p1 =	sge.u32 s31, s7  }
.Ltmp2:
0x2b: {  	_ = 	snop;
	(pc) =	sbr.rel @p1 .LBB1_7-.Ltmp2, $1  }
0x2c: {  	_ =	sdelay $0x3  }
0x2d: {  	s18 =	simm.s32 $0x1;
	s20 =	sand.u32 $0x1, s15  }
0x2e: {  	_ =	swait.ge [sflag:s6], $0x4000;
	s18 =	simm.s32 @!p0 $0x0;
	s21 =	smul.u32 $0x10200, s20  }
0x2f: {  	[sflag:s6] =	ssyncset.done $0x0;
	s19 =	smul.u32 $0x10200, s18  }
0x30: {  	s18 =	sshll.u32 s18, $0xE;
	[sflag:s6] =	ssyncadd.s32 $0xFFFFC000  }
0x31: {  	s20 =	sor.u32 $0x10, s18;
	s31 =	sshrl.u32 s21, $0x2;
	s19 =	sshrl.u32 s19, $0x2  }
0x32: {  	s21 =	simm.s32 $0x0;
	s18 =	sor.u32 $0x8000, s31;
	s19 =	sor.u32 $0x8000, s19  }
.LBB1_3:
0x33: {  	v1 =	vld [tilespmem:s20+$0x0]  }
0x34: {  	v0 =	vld [tilespmem:s20+$0xFFFFFFF0];
	_ =	sdelay $0x2  }
0x35: {  	s24 =	sadd.s32 $0x0, s19  }
0x36: {  	s22 =	simm.s32 $0x4;
	s23 =	sadd.s32 $0x20, s20;
	[tilespmem:s24+$0x810 ss:$0x81] =	vst.msk $0xffff, v1  }
.LBB1_4:
0x37: {  	v1 =	vld [tilespmem:s23+$0x0];
	p1 =	sne.s32 s22, $0x1FC;
	[tilespmem:s24+$0x0 ss:$0x81] =	vst.msk $0xffff, v0;
	s24 =	smov.u32 s22;
	s22 =	sadd.s32 $0x4, s22  }
.Ltmp3:
0x38: {  	v0 =	vld [tilespmem:s23+$0xFFFFFFF0];
	(pc) =	sbr.rel @p1 .LBB1_4-.Ltmp3, $4  }
0x39: {  	_ = 	snop  }
0x3a: {  	s24 =	sshra.s32 s24, $0x2  }
0x3b: {  	s24 =	sadd.s32 s24, s19  }
0x3c: {  	s23 =	sadd.s32 $0x20, s23;
	[tilespmem:s24+$0x810 ss:$0x81] =	vst.msk $0xffff, v1  }
0x3d: {  	s21 =	sadd.s32 $0x1, s21  }
0x3e: {  	p1 =	sne.s32 s21, $0x4  }
.Ltmp4:
0x3f: {  	_ = 	snop;
	(pc) =	sbr.rel @p1 .LBB1_3-.Ltmp4, $2  }
0x40: {  	_ =	sdelay $0x2  }
0x41: {  	[tilespmem:s24+$0x0 ss:$0x81] =	vst.msk $0xffff, v0;
	s19 =	sadd.s32 $0x1020, s19;
	s20 =	sadd.s32 $0x1000, s20  }
0x42: {  	s19 =	sshll.u32 s16, $0x3;
	s20 =	sand.u32 $0x78, s16;
	s17 =	sshll.u32 s17, $0x13  }
.Ltmp5:
0x43: {  	s30 =	sand.u32 $0x7C000, s16;
	s19 =	sand.u32 $0x1FC00, s19;
	(pc) =	sbr.rel .LBB1_7-.Ltmp5, $4  }
0x44: {  	s31 =	sand.u32 $0x7, s16;
	s17 =	sadd.s32 s2, s17;
	s19 =	sor.u32 s20, s19  }
0x45: {  	s16 =	sshll.u32 s31, $0x12;
	s17 =	sadd.s32 s30, s17;
	s19 =	sshrl.u32 s19, $0x3  }
0x46: {  	s16 =	sor.u32 $0x400, s16;
	s17 =	sadd.s32 s19, s17  }
0x47: {  	[hbm4b:s17+s16] =	stream.strided.scatter [tilespmem:s18], [sflag:$0x2], $0x4000, s12, s16, $0x20;
	[tilespmem:$0x10100] =	vst v63  }
.LBB1_8:
0x48: {  	_ =	sfence.sel $0x180000  }
0x49: {  	s2 =	simm.s32 $0x1;
	[bflag:$0x0] =	sbarrier.arrive $0xFFFF  }
0x4a: {  	s31 =	simm.s32 $0x2;
	[sflag:s2] =	ssyncpa.u1 $0x1  }
0x4b: {  	[sflag:s31] =	ssyncpa.u1 $0x1  }
0x4c: {  	p0 =	sne.s32 s1, $0x0;
	_ =	strace $0x90000047  }
0x4d: {  	s0 =	sadd.s32 @!p0 $0x100000, s0;
	[bflag:$0x2] =	sbarrier.arrive $0xFFFF  }
0x4e: {  	[sflag:s0] =	ssyncadd.tile.s32 @!p0 $0x1;
	_ =	shalt  }
.Lfunc_end1:
_tile_overlayer_lowered:
.L_overlay_start_2:
0x4f: {  	(tag) =	ssettag $0x2  }
0x50: {  	s0 =	rddreg [dreg:$0x0];
	s2 =	stileid.u32  }
0x51: {  	s1 =	rddreg [dreg:$0x1];
	p0 =	sne.s32 s2, $0x0  }
0x52: {  	s3 =	rddreg [dreg:$0x2];
	[bflag:$0x3] =	sbarrier.arrive $0xFFFF;
	s2 =	simm.s32 @!p0 $0x1C01  }
0x53: {  	[timem:s3], [sflag:s2] =	dma.local @!p0 [hbm:s0], s1  }
0x54: {  	s0 =	simm.s32 @!p0 $0x1  }
0x55: {  	_ =	swait.ge @!p0 [sflag:s0], s1  }
0x56: {  	s1 =	ssub.s32 @!p0 $0x0, s1;
	[sflag:s0] =	ssyncset.done @!p0 $0x0  }
0x57: {  	[sflag:s0] =	ssyncadd.s32 @!p0 s1  }
0x58: {  	[bflag:$0x3] =	sbarrier.arrive $0xFFFF  }
0x59: {  	_ =	shalt  }

</sc_bundles>
